<compile_context>
chip_gen: v7x
topology: tpu7x:2x2x1
jax: 0.10.2.dev20260603
libtpu: 0.0.44.dev20260713+nightly
codegen_flags: <defaults>
</compile_context>

<pallas_src>
import functools

import jax
import jax.numpy as jnp
from jax import lax
from jax.experimental import pallas as pl
from jax.experimental.pallas import tpu as pltpu
from jax.experimental.pallas import tpu_sc as plsc

N_CELLS = 4096
N_GENES = 16384
N_F = 128



def _cumsum_lanes(x):
    g = x.shape[1]
    s = 1
    while s < g:
        shifted = jnp.concatenate(
            [jnp.zeros((x.shape[0], s), x.dtype), x[:, : g - s]], axis=1
        )
        x = x + shifted
        s *= 2
    return x


def _index_body(var_ref, idx_ref, vf_ref):
    v = var_ref[...]
    mask = (v >= 0) & (v < N_F)
    m = mask.astype(jnp.int32)
    pos = _cumsum_lanes(m)
    total = pos[:, N_GENES - 1 :]

    posb = jnp.broadcast_to(pos, (N_F, N_GENES))
    maskb = jnp.broadcast_to(mask, (N_F, N_GENES))
    kcol = lax.broadcasted_iota(jnp.int32, (N_F, N_GENES), 0)
    cond = (posb == kcol + 1) & maskb

    giota = lax.broadcasted_iota(jnp.int32, (N_F, N_GENES), 1)
    idx = jnp.sum(jnp.where(cond, giota, 0), axis=1, keepdims=True)
    idx_ref[...] = idx

    vb = jnp.broadcast_to(v, (N_F, N_GENES))
    sumv = jnp.sum(jnp.where(cond, vb, 0), axis=1, keepdims=True)
    ktile = lax.broadcasted_iota(jnp.int32, (N_F, 1), 0)
    vf_ref[...] = jnp.where(ktile < total[0, 0], sumv, v[0, 0])


def _compute_indices(var32):
    return pl.pallas_call(
        _index_body,
        out_shape=(
            jax.ShapeDtypeStruct((N_F, 1), jnp.int32),
            jax.ShapeDtypeStruct((N_F, 1), jnp.int32),
        ),
    )(var32.reshape(1, N_GENES))



_ROWS_PER_W = N_CELLS // 32

_I32_MAX = 2**31 - 1


def _lane_scalar(vec, lane, i16):
    return jnp.min(jnp.where(i16 == lane, vec, _I32_MAX))


def _sc_gather_body(x_hbm, idx_hbm, o_hbm, idx_v, buf_o, buf_w):
    core = lax.axis_index("c")
    sub = lax.axis_index("s")
    w = sub * 2 + core
    row0 = w * _ROWS_PER_W

    pltpu.sync_copy(idx_hbm, idx_v)
    i16 = lax.iota(jnp.int32, 16)
    idx0 = _lane_scalar(idx_v[pl.ds(0, 16)], 0, i16)

    acc = jnp.ones((16,), dtype=jnp.bool_)
    for c in range(N_F // 16):
        vc = idx_v[pl.ds(c * 16, 16)]
        acc = acc & (vc == idx0 + c * 16 + i16)
    fast = jnp.all(acc) & (lax.rem(idx0, 128) == 0)

    @pl.when(fast)
    def _fast():
        src0 = pl.multiple_of(idx0, 128)
        pltpu.sync_copy(
            x_hbm.at[pl.ds(row0, _ROWS_PER_W), pl.ds(src0, N_F)], buf_o
        )

    @pl.when(jnp.logical_not(fast))
    def _slow():
        @pl.loop(0, N_F)
        def _(k):
            cbase = pl.multiple_of((k // 16) * 16, 8)
            chunk = idx_v[pl.ds(cbase, 16)]
            oj = _lane_scalar(chunk, lax.rem(k, 16), i16)
            a = pl.multiple_of((oj // 128) * 128, 128)
            r = oj - a
            pltpu.sync_copy(
                x_hbm.at[pl.ds(row0, _ROWS_PER_W), pl.ds(a, 128)], buf_w
            )

            @pl.loop(0, _ROWS_PER_W // 16)
            def _(i):
                rows = i * 16 + i16
                vals = plsc.load_gather(buf_w, [rows, jnp.full((16,), r, jnp.int32)])
                plsc.store_scatter(buf_o, [rows, jnp.full((16,), k, jnp.int32)], vals)

    pltpu.sync_copy(buf_o, o_hbm.at[pl.ds(row0, _ROWS_PER_W)])


def _sc_gather(x_ng, idx_flat):
    mesh = plsc.VectorSubcoreMesh(core_axis_name="c", subcore_axis_name="s")
    return pl.kernel(
        _sc_gather_body,
        out_type=jax.ShapeDtypeStruct((N_CELLS, N_F), x_ng.dtype),
        mesh=mesh,
        compiler_params=pltpu.CompilerParams(needs_layout_passes=False),
        scratch_types=[
            pltpu.VMEM((N_F,), jnp.int32),
            pltpu.VMEM((_ROWS_PER_W, N_F), x_ng.dtype),
            pltpu.VMEM((_ROWS_PER_W, 128), x_ng.dtype),
        ],
    )(x_ng, idx_flat)


def kernel(x_ng, var_names_g):
    var32 = var_names_g.astype(jnp.int32)
    idx, vf = _compute_indices(var32)
    idx_flat = idx.reshape(N_F)
    x_filtered = _sc_gather(x_ng, idx_flat)
    var_filtered = vf.reshape(N_F).astype(var_names_g.dtype)
    return (x_filtered, var_filtered)

# --- scband reference (transcript-rebuilt; emitter-appended) ---
"""Pipeline reference for scband-filter-17231408791997 (READ-ONLY COPY).

The authoritative reference and input builder live on the scoring server;
editing this copy changes nothing except your own understanding.
"""

import jax, jax.numpy as jnp
import numpy as np

N_CELLS = 4096
N_GENES = 16384
FILTER_LIST = np.arange(128, dtype=np.int64)  # mirrors init filter_list=[0..127]


def setup_inputs(seed: int = 0) -> dict:
    key = jax.random.key(seed)
    x_ng = jax.random.normal(key, (N_CELLS, N_GENES), dtype=jnp.float32)
    var_names_g = jnp.arange(N_GENES, dtype=jnp.int64)
    return {"x_ng": x_ng, "var_names_g": var_names_g}


def reference(x_ng, var_names_g):
    # mask_g = var_names_g in filter_list
    mask = jnp.isin(var_names_g, jnp.asarray(FILTER_LIST))
    # indices of matched features (sorted, as np.where on a boolean mask)
    filter_indices = jnp.nonzero(mask, size=FILTER_LIST.shape[0])[0]
    # y_ng = x_ng[:, mask]  (column gather)
    x_filtered = jnp.take(x_ng, filter_indices, axis=1)
    var_filtered = jnp.take(var_names_g, filter_indices, axis=0)
    return (x_filtered, var_filtered)

if __name__ == "__main__":
    import jax
    _d = setup_inputs()
    print(jax.jit(kernel)(*tuple(_d.values())))

</pallas_src>

<mosaic_0001>
#map = affine_map<(d0, d1) -> (0, 0)>
#map1 = affine_map<(d0, d1) -> (0)>
module attributes {stable_mosaic.version = 14 : i64} {
  func.func @_sc_gather_body(%arg0: i32, %arg1: i32, %arg2: memref<4096x16384xf32, #tpu.memory_space<hbm>>, %arg3: memref<128xi32, #tpu.memory_space<hbm>>, %arg4: memref<4096x128xf32, #tpu.memory_space<hbm>>, %arg5: memref<128xi32, #tpu.memory_space<vmem>>, %arg6: memref<128x128xf32, #tpu.memory_space<vmem>>, %arg7: memref<128x128xf32, #tpu.memory_space<vmem>>) attributes {dimension_semantics = [#tpu.dimension_semantics<core_parallel>, #tpu.dimension_semantics<subcore_parallel>], iteration_bounds = array<i64: 2, 16>, scalar_prefetch = 0 : i64, scratch_operands = 3 : i64, tpu.core_type = #tpu.core_type<sc_vector_subcore>, window_params = [{transform_indices = #map}, {transform_indices = #map1}, {transform_indices = #map}]} {
    %mul3A = arith.constant 2 : i32
    %mul3A_0 = arith.muli %arg1, %mul3A : i32
    %add3A = arith.addi %mul3A_0, %arg0 : i32
    %mul3A_1 = arith.constant 128 : i32
    %mul3A_2 = arith.muli %add3A, %mul3A_1 : i32
    "tpu.region"() ({
      %run_scoped3A = tpu.sem_alloc : memref<!tpu.dma_semaphore, #tpu.memory_space<semaphore_mem>>
      tpu.enqueue_dma source(%arg3 : memref<128xi32, #tpu.memory_space<hbm>>) target(%arg5 : memref<128xi32, #tpu.memory_space<vmem>>) target_semaphore(%run_scoped3A : memref<!tpu.dma_semaphore, #tpu.memory_space<semaphore_mem>>)
      tpu.wait_dma2 semaphore(%run_scoped3A : memref<!tpu.dma_semaphore, #tpu.memory_space<semaphore_mem>>) src(%arg3 : memref<128xi32, #tpu.memory_space<hbm>>) dst(%arg5 : memref<128xi32, #tpu.memory_space<vmem>>)
      tpu.yield
    }) : () -> ()
    %iota3A = tpu.iota {dimensions = array<i32: 0>} : vector<16xi32>
    %get3A = arith.constant 0 : index
    %get3A_3 = tpu.vector_load %arg5[%get3A] {strides = array<i32>} : memref<128xi32, #tpu.memory_space<vmem>>, vector<16xi32>,
    %eq3A = arith.constant 0 : i32
    %eq3A_4 = vector.broadcast %eq3A : i32 to vector<16xi32>
    %eq3A_5 = arith.cmpi eq, %iota3A, %eq3A_4 : vector<16xi32>
    %jit3A = arith.constant 2147483647 : i32
    %broadcast_in_dim3A = vector.broadcast %jit3A : i32 to vector<16xi32>
    %select_n3A = arith.select %eq3A_5, %get3A_3, %broadcast_in_dim3A : vector<16xi1>, vector<16xi32>
    %reduce_min3A = arith.constant true
    %reduce_min3A_6 = vector.broadcast %reduce_min3A : i1 to vector<16xi1>
    %reduce_min3A_7 = arith.constant -2147483648 : i32
    %reduce_min3A_8 = vector.broadcast %reduce_min3A_7 : i32 to vector<16xi32>
    %reduce_min3A_9 = arith.xori %select_n3A, %reduce_min3A_8 : vector<16xi32>
    %reduce_min3A_10 = tpu.scan <min>, %reduce_min3A_9 masked %reduce_min3A_6 : vector<16xi32>, vector<16xi1> -> vector<16xi32>
    %reduce_min3A_11 = arith.xori %reduce_min3A_10, %reduce_min3A_8 : vector<16xi32>
    %reduce_min3A_12 = vector.extract %reduce_min3A_11[15] : i32 from vector<16xi32>
    %broadcast_in_dim3A_13 = arith.constant true
    %broadcast_in_dim3A_14 = vector.broadcast %broadcast_in_dim3A_13 : i1 to vector<16xi1>
    %get3A_15 = arith.constant 0 : index
    %get3A_16 = tpu.vector_load %arg5[%get3A_15] {strides = array<i32>} : memref<128xi32, #tpu.memory_space<vmem>>, vector<16xi32>,
    %add3A_17 = arith.constant 0 : i32
    %add3A_18 = arith.addi %reduce_min3A_12, %add3A_17 : i32
    %add3A_19 = vector.broadcast %add3A_18 : i32 to vector<16xi32>
    %add3A_20 = arith.addi %add3A_19, %iota3A : vector<16xi32>
    %eq3A_21 = arith.cmpi eq, %get3A_16, %add3A_20 : vector<16xi32>
    %and3A = arith.andi %broadcast_in_dim3A_14, %eq3A_21 : vector<16xi1>
    %get3A_22 = arith.constant 16 : index
    %get3A_23 = tpu.vector_load %arg5[%get3A_22] {strides = array<i32>} : memref<128xi32, #tpu.memory_space<vmem>>, vector<16xi32>,
    %add3A_24 = arith.constant 16 : i32
    %add3A_25 = arith.addi %reduce_min3A_12, %add3A_24 : i32
    %add3A_26 = vector.broadcast %add3A_25 : i32 to vector<16xi32>
    %add3A_27 = arith.addi %add3A_26, %iota3A : vector<16xi32>
    %eq3A_28 = arith.cmpi eq, %get3A_23, %add3A_27 : vector<16xi32>
    %and3A_29 = arith.andi %and3A, %eq3A_28 : vector<16xi1>
    %get3A_30 = arith.constant 32 : index
    %get3A_31 = tpu.vector_load %arg5[%get3A_30] {strides = array<i32>} : memref<128xi32, #tpu.memory_space<vmem>>, vector<16xi32>,
    %add3A_32 = arith.constant 32 : i32
    %add3A_33 = arith.addi %reduce_min3A_12, %add3A_32 : i32
    %add3A_34 = vector.broadcast %add3A_33 : i32 to vector<16xi32>
    %add3A_35 = arith.addi %add3A_34, %iota3A : vector<16xi32>
    %eq3A_36 = arith.cmpi eq, %get3A_31, %add3A_35 : vector<16xi32>
    %and3A_37 = arith.andi %and3A_29, %eq3A_36 : vector<16xi1>
    %get3A_38 = arith.constant 48 : index
    %get3A_39 = tpu.vector_load %arg5[%get3A_38] {strides = array<i32>} : memref<128xi32, #tpu.memory_space<vmem>>, vector<16xi32>,
    %add3A_40 = arith.constant 48 : i32
    %add3A_41 = arith.addi %reduce_min3A_12, %add3A_40 : i32
    %add3A_42 = vector.broadcast %add3A_41 : i32 to vector<16xi32>
    %add3A_43 = arith.addi %add3A_42, %iota3A : vector<16xi32>
    %eq3A_44 = arith.cmpi eq, %get3A_39, %add3A_43 : vector<16xi32>
    %and3A_45 = arith.andi %and3A_37, %eq3A_44 : vector<16xi1>
    %get3A_46 = arith.constant 64 : index
    %get3A_47 = tpu.vector_load %arg5[%get3A_46] {strides = array<i32>} : memref<128xi32, #tpu.memory_space<vmem>>, vector<16xi32>,
    %add3A_48 = arith.constant 64 : i32
    %add3A_49 = arith.addi %reduce_min3A_12, %add3A_48 : i32
    %add3A_50 = vector.broadcast %add3A_49 : i32 to vector<16xi32>
    %add3A_51 = arith.addi %add3A_50, %iota3A : vector<16xi32>
    %eq3A_52 = arith.cmpi eq, %get3A_47, %add3A_51 : vector<16xi32>
    %and3A_53 = arith.andi %and3A_45, %eq3A_52 : vector<16xi1>
    %get3A_54 = arith.constant 80 : index
    %get3A_55 = tpu.vector_load %arg5[%get3A_54] {strides = array<i32>} : memref<128xi32, #tpu.memory_space<vmem>>, vector<16xi32>,
    %add3A_56 = arith.constant 80 : i32
    %add3A_57 = arith.addi %reduce_min3A_12, %add3A_56 : i32
    %add3A_58 = vector.broadcast %add3A_57 : i32 to vector<16xi32>
    %add3A_59 = arith.addi %add3A_58, %iota3A : vector<16xi32>
    %eq3A_60 = arith.cmpi eq, %get3A_55, %add3A_59 : vector<16xi32>
    %and3A_61 = arith.andi %and3A_53, %eq3A_60 : vector<16xi1>
    %get3A_62 = arith.constant 96 : index
    %get3A_63 = tpu.vector_load %arg5[%get3A_62] {strides = array<i32>} : memref<128xi32, #tpu.memory_space<vmem>>, vector<16xi32>,
    %add3A_64 = arith.constant 96 : i32
    %add3A_65 = arith.addi %reduce_min3A_12, %add3A_64 : i32
    %add3A_66 = vector.broadcast %add3A_65 : i32 to vector<16xi32>
    %add3A_67 = arith.addi %add3A_66, %iota3A : vector<16xi32>
    %eq3A_68 = arith.cmpi eq, %get3A_63, %add3A_67 : vector<16xi32>
    %and3A_69 = arith.andi %and3A_61, %eq3A_68 : vector<16xi1>
    %get3A_70 = arith.constant 112 : index
    %get3A_71 = tpu.vector_load %arg5[%get3A_70] {strides = array<i32>} : memref<128xi32, #tpu.memory_space<vmem>>, vector<16xi32>,
    %add3A_72 = arith.constant 112 : i32
    %add3A_73 = arith.addi %reduce_min3A_12, %add3A_72 : i32
    %add3A_74 = vector.broadcast %add3A_73 : i32 to vector<16xi32>
    %add3A_75 = arith.addi %add3A_74, %iota3A : vector<16xi32>
    %eq3A_76 = arith.cmpi eq, %get3A_71, %add3A_75 : vector<16xi32>
    %and3A_77 = arith.andi %and3A_69, %eq3A_76 : vector<16xi1>
    %reduce_and3A = arith.constant 1.000000e+00 : f32
    %reduce_and3A_78 = arith.constant 0.000000e+00 : f32
    %reduce_and3A_79 = vector.broadcast %reduce_and3A : f32 to vector<16xf32>
    %reduce_and3A_80 = vector.broadcast %reduce_and3A_78 : f32 to vector<16xf32>
    %reduce_and3A_81 = arith.select %and3A_77, %reduce_and3A_79, %reduce_and3A_80 : vector<16xi1>, vector<16xf32>
    %reduce_and3A_82 = arith.constant true
    %reduce_and3A_83 = vector.broadcast %reduce_and3A_82 : i1 to vector<16xi1>
    %reduce_and3A_84 = tpu.scan <min>, %reduce_and3A_81 masked %reduce_and3A_83 : vector<16xf32>, vector<16xi1> -> vector<16xf32>
    %reduce_and3A_85 = vector.extract %reduce_and3A_84[15] : f32 from vector<16xf32>
    %reduce_and3A_86 = arith.constant 0.000000e+00 : f32
    %reduce_and3A_87 = arith.cmpf ogt, %reduce_and3A_85, %reduce_and3A_86 : f32
    %rem3A = arith.constant 128 : i32
    %rem3A_88 = arith.remsi %reduce_min3A_12, %rem3A : i32
    %eq3A_89 = arith.constant 0 : i32
    %eq3A_90 = arith.cmpi eq, %rem3A_88, %eq3A_89 : i32
    %and3A_91 = arith.andi %reduce_and3A_87, %eq3A_90 : i1
    %convert_element_type3A = arith.extui %and3A_91 : i1 to i32
    %cond3A = arith.constant 0 : i32
    %cond3A_92 = arith.cmpi ne, %convert_element_type3A, %cond3A : i32
    scf.if %cond3A_92 {
      %multiple_of3A = tpu.assume_multiple %reduce_min3A_12, 128 : i32
      "tpu.region"() ({
        %run_scoped3A = tpu.sem_alloc : memref<!tpu.dma_semaphore, #tpu.memory_space<semaphore_mem>>
        %dma_start3A = tpu.memref_slice %arg2[%mul3A_2, %multiple_of3A] : memref<4096x16384xf32, #tpu.memory_space<hbm>> -> memref<128x128xf32, #tpu.memory_space<hbm>>
        %dma_start3A_97 = tpu.memref_slice %arg2[%mul3A_2, %multiple_of3A] : memref<4096x16384xf32, #tpu.memory_space<hbm>> -> memref<128x128xf32, #tpu.memory_space<hbm>>
        tpu.enqueue_dma source(%dma_start3A_97 : memref<128x128xf32, #tpu.memory_space<hbm>>) target(%arg6 : memref<128x128xf32, #tpu.memory_space<vmem>>) target_semaphore(%run_scoped3A : memref<!tpu.dma_semaphore, #tpu.memory_space<semaphore_mem>>)
        %dma_wait3A = tpu.memref_slice %arg2[%mul3A_2, %multiple_of3A] : memref<4096x16384xf32, #tpu.memory_space<hbm>> -> memref<128x128xf32, #tpu.memory_space<hbm>>
        %dma_wait3A_98 = tpu.memref_slice %arg2[%mul3A_2, %multiple_of3A] : memref<4096x16384xf32, #tpu.memory_space<hbm>> -> memref<128x128xf32, #tpu.memory_space<hbm>>
        tpu.wait_dma2 semaphore(%run_scoped3A : memref<!tpu.dma_semaphore, #tpu.memory_space<semaphore_mem>>) src(%dma_wait3A_98 : memref<128x128xf32, #tpu.memory_space<hbm>>) dst(%arg6 : memref<128x128xf32, #tpu.memory_space<vmem>>)
        tpu.yield
      }) : () -> ()
    } else {
    }
    %not3A = arith.constant true
    %not3A_93 = arith.xori %and3A_91, %not3A : i1
    %convert_element_type3A_94 = arith.extui %not3A_93 : i1 to i32
    %cond3A_95 = arith.constant 0 : i32
    %cond3A_96 = arith.cmpi ne, %convert_element_type3A_94, %cond3A_95 : i32
    scf.if %cond3A_96 {
      %scan3A = arith.constant 0 : i32
      %scan3A_97 = arith.constant 128 : i32
      %scan3A_98 = arith.addi %scan3A, %scan3A_97 : i32
      %scan3A_99 = arith.constant 1 : i32
      scf.for %scan3A_101 = %scan3A to %scan3A_98 step %scan3A_99  : i32 {
        %mul3A_102 = arith.constant 1 : i32
        %mul3A_103 = arith.muli %scan3A_101, %mul3A_102 : i32
        %add3A_104 = arith.constant 0 : i32
        %add3A_105 = arith.addi %add3A_104, %mul3A_103 : i32
        %jit3A_106 = arith.constant 16 : i32
        %div3A = arith.divsi %add3A_105, %jit3A_106 : i32
        %sign3A = arith.constant 0 : i32
        %sign3A_107 = arith.cmpi sgt, %add3A_105, %sign3A : i32
        %sign3A_108 = arith.extui %sign3A_107 : i1 to i32
        %sign3A_109 = arith.constant 0 : i32
        %sign3A_110 = arith.cmpi slt, %add3A_105, %sign3A_109 : i32
        %sign3A_111 = arith.extui %sign3A_110 : i1 to i32
        %sign3A_112 = arith.subi %sign3A_108, %sign3A_111 : i32
        %sign3A_113 = arith.constant 0 : i32
        %sign3A_114 = arith.cmpi sgt, %jit3A_106, %sign3A_113 : i32
        %sign3A_115 = arith.extui %sign3A_114 : i1 to i32
        %sign3A_116 = arith.constant 0 : i32
        %sign3A_117 = arith.cmpi slt, %jit3A_106, %sign3A_116 : i32
        %sign3A_118 = arith.extui %sign3A_117 : i1 to i32
        %sign3A_119 = arith.subi %sign3A_115, %sign3A_118 : i32
        %ne3A = arith.cmpi ne, %sign3A_112, %sign3A_119 : i32
        %rem3A_120 = arith.remsi %add3A_105, %jit3A_106 : i32
        %ne3A_121 = arith.constant 0 : i32
        %ne3A_122 = arith.cmpi ne, %rem3A_120, %ne3A_121 : i32
        %and3A_123 = arith.andi %ne3A, %ne3A_122 : i1
        %sub3A = arith.constant 1 : i32
        %sub3A_124 = arith.subi %div3A, %sub3A : i32
        %select_n3A_125 = arith.select %and3A_123, %sub3A_124, %div3A : i32
        %mul3A_126 = arith.constant 16 : i32
        %mul3A_127 = arith.muli %select_n3A_125, %mul3A_126 : i32
        %multiple_of3A = tpu.assume_multiple %mul3A_127, 8 : i32
        %get3A_128 = arith.index_cast %multiple_of3A : i32 to index
        %get3A_129 = tpu.vector_load %arg5[%get3A_128] {strides = array<i32>} : memref<128xi32, #tpu.memory_space<vmem>>, vector<16xi32>,
        %rem3A_130 = arith.constant 16 : i32
        %rem3A_131 = arith.remsi %add3A_105, %rem3A_130 : i32
        %eq3A_132 = vector.broadcast %rem3A_131 : i32 to vector<16xi32>
        %eq3A_133 = arith.cmpi eq, %iota3A, %eq3A_132 : vector<16xi32>
        %jit3A_134 = arith.constant 2147483647 : i32
        %broadcast_in_dim3A_135 = vector.broadcast %jit3A_134 : i32 to vector<16xi32>
        %select_n3A_136 = arith.select %eq3A_133, %get3A_129, %broadcast_in_dim3A_135 : vector<16xi1>, vector<16xi32>
        %reduce_min3A_137 = arith.constant true
        %reduce_min3A_138 = vector.broadcast %reduce_min3A_137 : i1 to vector<16xi1>
        %reduce_min3A_139 = arith.constant -2147483648 : i32
        %reduce_min3A_140 = vector.broadcast %reduce_min3A_139 : i32 to vector<16xi32>
        %reduce_min3A_141 = arith.xori %select_n3A_136, %reduce_min3A_140 : vector<16xi32>
        %reduce_min3A_142 = tpu.scan <min>, %reduce_min3A_141 masked %reduce_min3A_138 : vector<16xi32>, vector<16xi1> -> vector<16xi32>
        %reduce_min3A_143 = arith.xori %reduce_min3A_142, %reduce_min3A_140 : vector<16xi32>
        %reduce_min3A_144 = vector.extract %reduce_min3A_143[15] : i32 from vector<16xi32>
        %jit3A_145 = arith.constant 128 : i32
        %div3A_146 = arith.divsi %reduce_min3A_144, %jit3A_145 : i32
        %sign3A_147 = arith.constant 0 : i32
        %sign3A_148 = arith.cmpi sgt, %reduce_min3A_144, %sign3A_147 : i32
        %sign3A_149 = arith.extui %sign3A_148 : i1 to i32
        %sign3A_150 = arith.constant 0 : i32
        %sign3A_151 = arith.cmpi slt, %reduce_min3A_144, %sign3A_150 : i32
        %sign3A_152 = arith.extui %sign3A_151 : i1 to i32
        %sign3A_153 = arith.subi %sign3A_149, %sign3A_152 : i32
        %sign3A_154 = arith.constant 0 : i32
        %sign3A_155 = arith.cmpi sgt, %jit3A_145, %sign3A_154 : i32
        %sign3A_156 = arith.extui %sign3A_155 : i1 to i32
        %sign3A_157 = arith.constant 0 : i32
        %sign3A_158 = arith.cmpi slt, %jit3A_145, %sign3A_157 : i32
        %sign3A_159 = arith.extui %sign3A_158 : i1 to i32
        %sign3A_160 = arith.subi %sign3A_156, %sign3A_159 : i32
        %ne3A_161 = arith.cmpi ne, %sign3A_153, %sign3A_160 : i32
        %rem3A_162 = arith.remsi %reduce_min3A_144, %jit3A_145 : i32
        %ne3A_163 = arith.constant 0 : i32
        %ne3A_164 = arith.cmpi ne, %rem3A_162, %ne3A_163 : i32
        %and3A_165 = arith.andi %ne3A_161, %ne3A_164 : i1
        %sub3A_166 = arith.constant 1 : i32
        %sub3A_167 = arith.subi %div3A_146, %sub3A_166 : i32
        %select_n3A_168 = arith.select %and3A_165, %sub3A_167, %div3A_146 : i32
        %mul3A_169 = arith.constant 128 : i32
        %mul3A_170 = arith.muli %select_n3A_168, %mul3A_169 : i32
        %multiple_of3A_171 = tpu.assume_multiple %mul3A_170, 128 : i32
        %sub3A_172 = arith.subi %reduce_min3A_144, %multiple_of3A_171 : i32
        "tpu.region"() ({
          %run_scoped3A = tpu.sem_alloc : memref<!tpu.dma_semaphore, #tpu.memory_space<semaphore_mem>>
          %dma_start3A = tpu.memref_slice %arg2[%mul3A_2, %multiple_of3A_171] : memref<4096x16384xf32, #tpu.memory_space<hbm>> -> memref<128x128xf32, #tpu.memory_space<hbm>>
          %dma_start3A_178 = tpu.memref_slice %arg2[%mul3A_2, %multiple_of3A_171] : memref<4096x16384xf32, #tpu.memory_space<hbm>> -> memref<128x128xf32, #tpu.memory_space<hbm>>
          tpu.enqueue_dma source(%dma_start3A_178 : memref<128x128xf32, #tpu.memory_space<hbm>>) target(%arg7 : memref<128x128xf32, #tpu.memory_space<vmem>>) target_semaphore(%run_scoped3A : memref<!tpu.dma_semaphore, #tpu.memory_space<semaphore_mem>>)
          %dma_wait3A = tpu.memref_slice %arg2[%mul3A_2, %multiple_of3A_171] : memref<4096x16384xf32, #tpu.memory_space<hbm>> -> memref<128x128xf32, #tpu.memory_space<hbm>>
          %dma_wait3A_179 = tpu.memref_slice %arg2[%mul3A_2, %multiple_of3A_171] : memref<4096x16384xf32, #tpu.memory_space<hbm>> -> memref<128x128xf32, #tpu.memory_space<hbm>>
          tpu.wait_dma2 semaphore(%run_scoped3A : memref<!tpu.dma_semaphore, #tpu.memory_space<semaphore_mem>>) src(%dma_wait3A_179 : memref<128x128xf32, #tpu.memory_space<hbm>>) dst(%arg7 : memref<128x128xf32, #tpu.memory_space<vmem>>)
          tpu.yield
        }) : () -> ()
        %scan3A_173 = arith.constant 0 : i32
        %scan3A_174 = arith.constant 8 : i32
        %scan3A_175 = arith.addi %scan3A_173, %scan3A_174 : i32
        %scan3A_176 = arith.constant 1 : i32
        scf.for %scan3A_178 = %scan3A_173 to %scan3A_175 step %scan3A_176  : i32 {
          %mul3A_179 = arith.constant 1 : i32
          %mul3A_180 = arith.muli %scan3A_178, %mul3A_179 : i32
          %add3A_181 = arith.constant 0 : i32
          %add3A_182 = arith.addi %add3A_181, %mul3A_180 : i32
          %mul3A_183 = arith.constant 16 : i32
          %mul3A_184 = arith.muli %add3A_182, %mul3A_183 : i32
          %add3A_185 = vector.broadcast %mul3A_184 : i32 to vector<16xi32>
          %add3A_186 = arith.addi %add3A_185, %iota3A : vector<16xi32>
          %broadcast_in_dim3A_187 = vector.broadcast %sub3A_172 : i32 to vector<16xi32>
          %gather3A = tpu.vector_load_idx %arg7[%add3A_186, %broadcast_in_dim3A_187] : memref<128x128xf32, #tpu.memory_space<vmem>>[vector<16xi32>, vector<16xi32>], vector<16xf32>,
          %broadcast_in_dim3A_188 = vector.broadcast %add3A_105 : i32 to vector<16xi32>
          tpu.vector_store_idx %arg6[%add3A_186, %broadcast_in_dim3A_188], %gather3A : memref<128x128xf32, #tpu.memory_space<vmem>>[vector<16xi32>, vector<16xi32>], vector<16xf32>,
        }
        %scan3A_177 = arith.constant 8 : i32
      }
      %scan3A_100 = arith.constant 128 : i32
    } else {
    }
    "tpu.region"() ({
      %run_scoped3A = tpu.sem_alloc : memref<!tpu.dma_semaphore, #tpu.memory_space<semaphore_mem>>
      %dma_start3A = arith.constant 0 : i32
      %dma_start3A_97 = tpu.memref_slice %arg4[%mul3A_2, %dma_start3A] : memref<4096x128xf32, #tpu.memory_space<hbm>> -> memref<128x128xf32, #tpu.memory_space<hbm>>
      %dma_start3A_98 = arith.constant 0 : i32
      %dma_start3A_99 = tpu.memref_slice %arg4[%mul3A_2, %dma_start3A_98] : memref<4096x128xf32, #tpu.memory_space<hbm>> -> memref<128x128xf32, #tpu.memory_space<hbm>>
      tpu.enqueue_dma source(%arg6 : memref<128x128xf32, #tpu.memory_space<vmem>>) target(%dma_start3A_99 : memref<128x128xf32, #tpu.memory_space<hbm>>) target_semaphore(%run_scoped3A : memref<!tpu.dma_semaphore, #tpu.memory_space<semaphore_mem>>)
      %dma_wait3A = arith.constant 0 : i32
      %dma_wait3A_100 = tpu.memref_slice %arg4[%mul3A_2, %dma_wait3A] : memref<4096x128xf32, #tpu.memory_space<hbm>> -> memref<128x128xf32, #tpu.memory_space<hbm>>
      %dma_wait3A_101 = arith.constant 0 : i32
      %dma_wait3A_102 = tpu.memref_slice %arg4[%mul3A_2, %dma_wait3A_101] : memref<4096x128xf32, #tpu.memory_space<hbm>> -> memref<128x128xf32, #tpu.memory_space<hbm>>
      tpu.wait_dma2 semaphore(%run_scoped3A : memref<!tpu.dma_semaphore, #tpu.memory_space<semaphore_mem>>) src(%arg6 : memref<128x128xf32, #tpu.memory_space<vmem>>) dst(%dma_wait3A_102 : memref<128x128xf32, #tpu.memory_space<hbm>>)
      tpu.yield
    }) : () -> ()
    return
  }
}

module attributes {stable_mosaic.version = 14 : i64} {
  func.func @_index_body(%arg0: memref<1x16384xi32, #tpu.memory_space<vmem>>, %arg1: memref<128x1xi32, #tpu.memory_space<vmem>>, %arg2: memref<128x1xi32, #tpu.memory_space<vmem>>) attributes {dimension_semantics = [], scalar_prefetch = 0 : i64, scratch_operands = 0 : i64, tpu.core_type = #tpu.core_type<tc>} {
    %get3A = arith.constant 0 : index
    %get3A_0 = arith.constant 0 : index
    %get3A_1 = vector.load %arg0[%get3A, %get3A_0] : memref<1x16384xi32, #tpu.memory_space<vmem>>, vector<1x16384xi32>
    %ge3A = arith.constant 0 : i32
    %ge3A_2 = vector.broadcast %ge3A : i32 to vector<1x16384xi32>
    %ge3A_3 = arith.cmpi sge, %get3A_1, %ge3A_2 : vector<1x16384xi32>
    %lt3A = arith.constant 128 : i32
    %lt3A_4 = vector.broadcast %lt3A : i32 to vector<1x16384xi32>
    %lt3A_5 = arith.cmpi slt, %get3A_1, %lt3A_4 : vector<1x16384xi32>
    %and3A = arith.andi %ge3A_3, %lt3A_5 : vector<1x16384xi1>
    %convert_element_type3A = arith.extui %and3A : vector<1x16384xi1> to vector<1x16384xi32>
    %broadcast_in_dim3A = arith.constant 0 : i32
    %broadcast_in_dim3A_6 = vector.broadcast %broadcast_in_dim3A : i32 to vector<1x1xi32>
    %slice3A = vector.extract_strided_slice %convert_element_type3A {offsets = [0, 0], sizes = [1, 16383], strides = [1, 1]} : vector<1x16384xi32> to vector<1x16383xi32>
    %concatenate3A = tpu.concatenate %broadcast_in_dim3A_6, %slice3A in 1 : vector<1x1xi32>, vector<1x16383xi32> -> vector<1x16384xi32>
    %add3A = arith.addi %convert_element_type3A, %concatenate3A : vector<1x16384xi32>
    %broadcast_in_dim3A_7 = arith.constant 0 : i32
    %broadcast_in_dim3A_8 = vector.broadcast %broadcast_in_dim3A_7 : i32 to vector<1x2xi32>
    %slice3A_9 = vector.extract_strided_slice %add3A {offsets = [0, 0], sizes = [1, 16382], strides = [1, 1]} : vector<1x16384xi32> to vector<1x16382xi32>
    %concatenate3A_10 = tpu.concatenate %broadcast_in_dim3A_8, %slice3A_9 in 1 : vector<1x2xi32>, vector<1x16382xi32> -> vector<1x16384xi32>
    %add3A_11 = arith.addi %add3A, %concatenate3A_10 : vector<1x16384xi32>
    %broadcast_in_dim3A_12 = arith.constant 0 : i32
    %broadcast_in_dim3A_13 = vector.broadcast %broadcast_in_dim3A_12 : i32 to vector<1x4xi32>
    %slice3A_14 = vector.extract_strided_slice %add3A_11 {offsets = [0, 0], sizes = [1, 16380], strides = [1, 1]} : vector<1x16384xi32> to vector<1x16380xi32>
    %concatenate3A_15 = tpu.concatenate %broadcast_in_dim3A_13, %slice3A_14 in 1 : vector<1x4xi32>, vector<1x16380xi32> -> vector<1x16384xi32>
    %add3A_16 = arith.addi %add3A_11, %concatenate3A_15 : vector<1x16384xi32>
    %broadcast_in_dim3A_17 = arith.constant 0 : i32
    %broadcast_in_dim3A_18 = vector.broadcast %broadcast_in_dim3A_17 : i32 to vector<1x8xi32>
    %slice3A_19 = vector.extract_strided_slice %add3A_16 {offsets = [0, 0], sizes = [1, 16376], strides = [1, 1]} : vector<1x16384xi32> to vector<1x16376xi32>
    %concatenate3A_20 = tpu.concatenate %broadcast_in_dim3A_18, %slice3A_19 in 1 : vector<1x8xi32>, vector<1x16376xi32> -> vector<1x16384xi32>
    %add3A_21 = arith.addi %add3A_16, %concatenate3A_20 : vector<1x16384xi32>
    %broadcast_in_dim3A_22 = arith.constant 0 : i32
    %broadcast_in_dim3A_23 = vector.broadcast %broadcast_in_dim3A_22 : i32 to vector<1x16xi32>
    %slice3A_24 = vector.extract_strided_slice %add3A_21 {offsets = [0, 0], sizes = [1, 16368], strides = [1, 1]} : vector<1x16384xi32> to vector<1x16368xi32>
    %concatenate3A_25 = tpu.concatenate %broadcast_in_dim3A_23, %slice3A_24 in 1 : vector<1x16xi32>, vector<1x16368xi32> -> vector<1x16384xi32>
    %add3A_26 = arith.addi %add3A_21, %concatenate3A_25 : vector<1x16384xi32>
    %broadcast_in_dim3A_27 = arith.constant 0 : i32
    %broadcast_in_dim3A_28 = vector.broadcast %broadcast_in_dim3A_27 : i32 to vector<1x32xi32>
    %slice3A_29 = vector.extract_strided_slice %add3A_26 {offsets = [0, 0], sizes = [1, 16352], strides = [1, 1]} : vector<1x16384xi32> to vector<1x16352xi32>
    %concatenate3A_30 = tpu.concatenate %broadcast_in_dim3A_28, %slice3A_29 in 1 : vector<1x32xi32>, vector<1x16352xi32> -> vector<1x16384xi32>
    %add3A_31 = arith.addi %add3A_26, %concatenate3A_30 : vector<1x16384xi32>
    %broadcast_in_dim3A_32 = arith.constant 0 : i32
    %broadcast_in_dim3A_33 = vector.broadcast %broadcast_in_dim3A_32 : i32 to vector<1x64xi32>
    %slice3A_34 = vector.extract_strided_slice %add3A_31 {offsets = [0, 0], sizes = [1, 16320], strides = [1, 1]} : vector<1x16384xi32> to vector<1x16320xi32>
    %concatenate3A_35 = tpu.concatenate %broadcast_in_dim3A_33, %slice3A_34 in 1 : vector<1x64xi32>, vector<1x16320xi32> -> vector<1x16384xi32>
    %add3A_36 = arith.addi %add3A_31, %concatenate3A_35 : vector<1x16384xi32>
    %broadcast_in_dim3A_37 = arith.constant 0 : i32
    %broadcast_in_dim3A_38 = vector.broadcast %broadcast_in_dim3A_37 : i32 to vector<1x128xi32>
    %slice3A_39 = vector.extract_strided_slice %add3A_36 {offsets = [0, 0], sizes = [1, 16256], strides = [1, 1]} : vector<1x16384xi32> to vector<1x16256xi32>
    %concatenate3A_40 = tpu.concatenate %broadcast_in_dim3A_38, %slice3A_39 in 1 : vector<1x128xi32>, vector<1x16256xi32> -> vector<1x16384xi32>
    %add3A_41 = arith.addi %add3A_36, %concatenate3A_40 : vector<1x16384xi32>
    %broadcast_in_dim3A_42 = arith.constant 0 : i32
    %broadcast_in_dim3A_43 = vector.broadcast %broadcast_in_dim3A_42 : i32 to vector<1x256xi32>
    %slice3A_44 = vector.extract_strided_slice %add3A_41 {offsets = [0, 0], sizes = [1, 16128], strides = [1, 1]} : vector<1x16384xi32> to vector<1x16128xi32>
    %concatenate3A_45 = tpu.concatenate %broadcast_in_dim3A_43, %slice3A_44 in 1 : vector<1x256xi32>, vector<1x16128xi32> -> vector<1x16384xi32>
    %add3A_46 = arith.addi %add3A_41, %concatenate3A_45 : vector<1x16384xi32>
    %broadcast_in_dim3A_47 = arith.constant 0 : i32
    %broadcast_in_dim3A_48 = vector.broadcast %broadcast_in_dim3A_47 : i32 to vector<1x512xi32>
    %slice3A_49 = vector.extract_strided_slice %add3A_46 {offsets = [0, 0], sizes = [1, 15872], strides = [1, 1]} : vector<1x16384xi32> to vector<1x15872xi32>
    %concatenate3A_50 = tpu.concatenate %broadcast_in_dim3A_48, %slice3A_49 in 1 : vector<1x512xi32>, vector<1x15872xi32> -> vector<1x16384xi32>
    %add3A_51 = arith.addi %add3A_46, %concatenate3A_50 : vector<1x16384xi32>
    %broadcast_in_dim3A_52 = arith.constant 0 : i32
    %broadcast_in_dim3A_53 = vector.broadcast %broadcast_in_dim3A_52 : i32 to vector<1x1024xi32>
    %slice3A_54 = vector.extract_strided_slice %add3A_51 {offsets = [0, 0], sizes = [1, 15360], strides = [1, 1]} : vector<1x16384xi32> to vector<1x15360xi32>
    %concatenate3A_55 = tpu.concatenate %broadcast_in_dim3A_53, %slice3A_54 in 1 : vector<1x1024xi32>, vector<1x15360xi32> -> vector<1x16384xi32>
    %add3A_56 = arith.addi %add3A_51, %concatenate3A_55 : vector<1x16384xi32>
    %broadcast_in_dim3A_57 = arith.constant 0 : i32
    %broadcast_in_dim3A_58 = vector.broadcast %broadcast_in_dim3A_57 : i32 to vector<1x2048xi32>
    %slice3A_59 = vector.extract_strided_slice %add3A_56 {offsets = [0, 0], sizes = [1, 14336], strides = [1, 1]} : vector<1x16384xi32> to vector<1x14336xi32>
    %concatenate3A_60 = tpu.concatenate %broadcast_in_dim3A_58, %slice3A_59 in 1 : vector<1x2048xi32>, vector<1x14336xi32> -> vector<1x16384xi32>
    %add3A_61 = arith.addi %add3A_56, %concatenate3A_60 : vector<1x16384xi32>
    %broadcast_in_dim3A_62 = arith.constant 0 : i32
    %broadcast_in_dim3A_63 = vector.broadcast %broadcast_in_dim3A_62 : i32 to vector<1x4096xi32>
    %slice3A_64 = vector.extract_strided_slice %add3A_61 {offsets = [0, 0], sizes = [1, 12288], strides = [1, 1]} : vector<1x16384xi32> to vector<1x12288xi32>
    %concatenate3A_65 = tpu.concatenate %broadcast_in_dim3A_63, %slice3A_64 in 1 : vector<1x4096xi32>, vector<1x12288xi32> -> vector<1x16384xi32>
    %add3A_66 = arith.addi %add3A_61, %concatenate3A_65 : vector<1x16384xi32>
    %broadcast_in_dim3A_67 = arith.constant 0 : i32
    %broadcast_in_dim3A_68 = vector.broadcast %broadcast_in_dim3A_67 : i32 to vector<1x8192xi32>
    %slice3A_69 = vector.extract_strided_slice %add3A_66 {offsets = [0, 0], sizes = [1, 8192], strides = [1, 1]} : vector<1x16384xi32> to vector<1x8192xi32>
    %concatenate3A_70 = tpu.concatenate %broadcast_in_dim3A_68, %slice3A_69 in 1 : vector<1x8192xi32>, vector<1x8192xi32> -> vector<1x16384xi32>
    %add3A_71 = arith.addi %add3A_66, %concatenate3A_70 : vector<1x16384xi32>
    %slice3A_72 = vector.extract_strided_slice %add3A_71 {offsets = [0, 16383], sizes = [1, 1], strides = [1, 1]} : vector<1x16384xi32> to vector<1x1xi32>
    %broadcast_in_dim3A_73 = vector.shape_cast %add3A_71 : vector<1x16384xi32> to vector<1x16384xi32>
    %broadcast_in_dim3A_74 = vector.broadcast %broadcast_in_dim3A_73 : vector<1x16384xi32> to vector<128x16384xi32>
    %broadcast_in_dim3A_75 = vector.shape_cast %and3A : vector<1x16384xi1> to vector<1x16384xi1>
    %broadcast_in_dim3A_76 = vector.broadcast %broadcast_in_dim3A_75 : vector<1x16384xi1> to vector<128x16384xi1>
    %iota3A = tpu.iota {dimensions = array<i32: 0>} : vector<128x16384xi32>
    %add3A_77 = arith.constant 1 : i32
    %add3A_78 = vector.broadcast %add3A_77 : i32 to vector<128x16384xi32>
    %add3A_79 = arith.addi %iota3A, %add3A_78 : vector<128x16384xi32>
    %eq3A = arith.cmpi eq, %broadcast_in_dim3A_74, %add3A_79 : vector<128x16384xi32>
    %and3A_80 = arith.andi %eq3A, %broadcast_in_dim3A_76 : vector<128x16384xi1>
    %iota3A_81 = tpu.iota {dimensions = array<i32: 1>} : vector<128x16384xi32>
    %jit3A = arith.constant 0 : i32
    %broadcast_in_dim3A_82 = vector.broadcast %jit3A : i32 to vector<128x16384xi32>
    %select_n3A = arith.select %and3A_80, %iota3A_81, %broadcast_in_dim3A_82 : vector<128x16384xi1>, vector<128x16384xi32>
    %reduce_sum3A = arith.constant dense<0> : vector<128xi32>
    %reduce_sum3A_83 = vector.multi_reduction <add>, %select_n3A, %reduce_sum3A [1] : vector<128x16384xi32> to vector<128xi32>
    %broadcast_in_dim3A_84 = vector.shape_cast %reduce_sum3A_83 : vector<128xi32> to vector<128x1xi32>
    %swap3A = arith.constant 0 : index
    %swap3A_85 = arith.constant 0 : index
    %swap3A_86 = vector.load %arg1[%swap3A, %swap3A_85] : memref<128x1xi32, #tpu.memory_space<vmem>>, vector<128x1xi32>
    tpu.vector_store %arg1[%swap3A, %swap3A_85], %broadcast_in_dim3A_84 {strides = array<i32>} : memref<128x1xi32, #tpu.memory_space<vmem>>, vector<128x1xi32>,
    %broadcast_in_dim3A_87 = vector.shape_cast %get3A_1 : vector<1x16384xi32> to vector<1x16384xi32>
    %broadcast_in_dim3A_88 = vector.broadcast %broadcast_in_dim3A_87 : vector<1x16384xi32> to vector<128x16384xi32>
    %jit3A_89 = arith.constant 0 : i32
    %broadcast_in_dim3A_90 = vector.broadcast %jit3A_89 : i32 to vector<128x16384xi32>
    %select_n3A_91 = arith.select %and3A_80, %broadcast_in_dim3A_88, %broadcast_in_dim3A_90 : vector<128x16384xi1>, vector<128x16384xi32>
    %reduce_sum3A_92 = arith.constant dense<0> : vector<128xi32>
    %reduce_sum3A_93 = vector.multi_reduction <add>, %select_n3A_91, %reduce_sum3A_92 [1] : vector<128x16384xi32> to vector<128xi32>
    %broadcast_in_dim3A_94 = vector.shape_cast %reduce_sum3A_93 : vector<128xi32> to vector<128x1xi32>
    %iota3A_95 = tpu.iota {dimensions = array<i32: 0>} : vector<128x1xi32>
    %squeeze3A = vector.extract %slice3A_72[0, 0] : i32 from vector<1x1xi32>
    %lt3A_96 = vector.broadcast %squeeze3A : i32 to vector<128x1xi32>
    %lt3A_97 = arith.cmpi slt, %iota3A_95, %lt3A_96 : vector<128x1xi32>
    %slice3A_98 = vector.extract_strided_slice %get3A_1 {offsets = [0, 0], sizes = [1, 1], strides = [1, 1]} : vector<1x16384xi32> to vector<1x1xi32>
    %squeeze3A_99 = vector.extract %slice3A_98[0, 0] : i32 from vector<1x1xi32>
    %broadcast_in_dim3A_100 = vector.broadcast %squeeze3A_99 : i32 to vector<128x1xi32>
    %select_n3A_101 = arith.select %lt3A_97, %broadcast_in_dim3A_94, %broadcast_in_dim3A_100 : vector<128x1xi1>, vector<128x1xi32>
    %swap3A_102 = arith.constant 0 : index
    %swap3A_103 = arith.constant 0 : index
    %swap3A_104 = vector.load %arg2[%swap3A_102, %swap3A_103] : memref<128x1xi32, #tpu.memory_space<vmem>>, vector<128x1xi32>
    tpu.vector_store %arg2[%swap3A_102, %swap3A_103], %select_n3A_101 {strides = array<i32>} : memref<128x1xi32, #tpu.memory_space<vmem>>, vector<128x1xi32>,
    return
  }
}

</mosaic_0001>

<sc_bundles>
// kernel: kernel.4.cloned.1.call-start
scs
__scs_entry_jumppad:
0x0: {  	(pc) =	sbr.rel $0x88, $3  }
0x1: {  	(tag) =	ssettag $0x0;
	lr =	simm.s32 $0x1  }
0x2: {  	[smem:$0x3F9F] =	sst lr;
	_ =	strace $0xD0000000  }
0x3: {  	_ = 	snop  }
0x4: {  	_ = 	snop  }
0x5: {  	_ = 	snop  }
0x6: {  	_ = 	snop  }
0x7: {  	_ = 	snop  }
__scs_overlays_trampoline_lowered:
0x8: {  	[smem:$0x3FAE] =	sst s0  }
0x9: {  	[smem:$0x3FAF] =	sst s1  }
0xa: {  	[smem:$0x3FB0] =	sst s2  }
0xb: {  	[smem:$0x3FB1] =	sst s3  }
0xc: {  	[smem:$0x3FB2] =	sst s4  }
0xd: {  	[smem:$0x3FB3] =	sst s5  }
0xe: {  	[smem:$0x3FB4] =	sst s6  }
0xf: {  	[smem:$0x3FB5] =	sst s7  }
0x10: {  	[smem:$0x3FB6] =	sst s8  }
0x11: {  	[smem:$0x3FB7] =	sst s9;
	s0 =	simm.s32 @!p0 $0x0  }
0x12: {  	s1 =	sld [smem:$0x3F9D];
	s0 =	simm.s32 @p0 $0x1  }
0x13: {  	[smem:$0x3FB8] =	sst s0;
	s0 =	simm.s32 @!p1 $0x0  }
0x14: {  	s2 =	sld [smem:$0x3F9C];
	s0 =	simm.s32 @p1 $0x1  }
0x15: {  	[smem:$0x3FB9] =	sst s0;
	s0 =	simm.s32 @!p2 $0x0  }
0x16: {  	s3 =	sld [smem:$0x3FDB];
	s0 =	simm.s32 @p2 $0x1  }
0x17: {  	s4 =	simm.s32 $0x1BF5;
	[smem:$0x3FBB] =	sst s0  }
0x18: {  	s0 =	sld [smem:$0x3F9E];
	_ =	swait.ge [sflag:s4], $0x0  }
0x19: {  	s7 =	sld [smem:$0x3F9F]  }
0x1a: {  	s8 =	sadd.s32 $0xFFFFE003, lr  }
0x1b: {  	s9 =	sadd.s32 $0xFFFFFEF7, lr;
	s5 =	simm.s32 $0xFFFFFFFF;
	p2 =	slt.u32 s8, $0xFFFFF086  }
0x1c: {  	p1 =	slt.u32 s9, $0xF7A;
	s5 =	simm.s32 @!p2 $0x0  }
0x1d: {  	s5 =	simm.s32 @p1 $0x1;
	p0 =	seq.s32 s7, s2  }
0x1e: {  	s7 =	smul.u32 @!p0 $0xF7A, s2;
	p2 =	seq.s32 @!p0 s5, $0x0  }
0x1f: {  	s9 =	smul.u32 $0xF7A, s1;
	s8 =	simm.s32 @!p0 $0x1BF5;
	p2 =	por !p2, p0  }
0x20: {  	[sflag:s8] =	ssyncset.s32 @!p0 $0xFFFFF086;
	s6 =	sadd.s32 @!p0 s3, s7;
	s7 =	simm.s32 @!p0 $0x108  }
0x21: {  	s3 =	sadd.s32 s3, s9;
	s6 =	sadd.s32 @!p0 $0x88, s6;
	s7 =	simm.s32 @p2 $0x1082  }
0x22: {  	[simem:s7], [sflag:s8] =	dma.local @!p0 [hbm:s6], $0xF7A  }
0x23: {  	s9 =	sor.u32 $0xD0000000, s2;
	s6 =	simm.s32 $0x108;
	_ =	swait.ge @!p0 [sflag:s8], $0x0  }
0x24: {  	s3 =	sadd.s32 $0x88, s3;
	s6 =	simm.s32 @!p1 $0x1082;
	[sflag:s4] =	ssyncset.s32 $0xFFFFF086  }
0x25: {  	[simem:s6], [sflag:s4] =	dma.local [hbm:s3], $0xF7A  }
0x26: {  	[smem:$0x3F9F] =	sst s1;
	(tag) =	ssettag s2;
	_ =	strace s9  }
0x27: {  	s1 =	sld [smem:$0x3FAF]  }
0x28: {  	s2 =	sld [smem:$0x3FB0]  }
0x29: {  	s4 =	sld [smem:$0x3FB2]  }
0x2a: {  	p0 =	seq.s32 s5, $0x0;
	s5 =	sld [smem:$0x3FB3]  }
0x2b: {  	s6 =	sld [smem:$0x3FB4]  }
0x2c: {  	s7 =	sld [smem:$0x3FB5]  }
0x2d: {  	s3 =	simm.s32 $0x108;
	s8 =	sld [smem:$0x3FB6]  }
0x2e: {  	s3 =	simm.s32 @!p0 $0x1082;
	s9 =	sld [smem:$0x3FB7]  }
0x2f: {  	lr =	sadd.s32 s0, s3;
	s0 =	sld [smem:$0x3FAE]  }
0x30: {  	s3 =	sld [smem:$0x3FB1]  }
0x31: {  	[smem:$0x3FBA] =	sst s10  }
0x32: {  	s10 =	sld [smem:$0x3FB8];
	_ =	sdelay $0x3  }
0x33: {  	p0 =	seq.s32 s10, $0x1;
	s10 =	sld [smem:$0x3FBA];
	_ =	sdelay $0x3  }
0x34: {  	[smem:$0x3FBA] =	sst s10  }
0x35: {  	s10 =	sld [smem:$0x3FB9];
	_ =	sdelay $0x3  }
0x36: {  	p1 =	seq.s32 s10, $0x1;
	s10 =	sld [smem:$0x3FBA];
	_ =	sdelay $0x3  }
0x37: {  	[smem:$0x3FBA] =	sst s10  }
0x38: {  	s10 =	sld [smem:$0x3FBB]  }
0x39: {  	_ = 	snop;
	(pc) =	sbr.ind lr, $3  }
0x3a: {  	_ = 	snop  }
0x3b: {  	_ = 	snop  }
0x3c: {  	p2 =	seq.s32 s10, $0x1;
	s10 =	sld [smem:$0x3FBA]  }
0x3d: {  	_ =	shalt  }
0x3e: {  	_ =	shalt  }
0x3f: {  	_ =	shalt  }
0x40: {  	_ =	shalt  }
0x41: {  	_ =	shalt  }
0x42: {  	_ =	shalt  }
0x43: {  	_ =	shalt  }
0x44: {  	_ =	shalt  }
0x45: {  	_ =	shalt  }
0x46: {  	_ =	shalt  }
0x47: {  	_ =	shalt  }
0x48: {  	_ =	shalt  }
0x49: {  	_ =	shalt  }
0x4a: {  	_ =	shalt  }
0x4b: {  	_ =	shalt  }
0x4c: {  	_ =	shalt  }
0x4d: {  	_ =	shalt  }
0x4e: {  	_ =	shalt  }
0x4f: {  	_ =	shalt  }
0x50: {  	_ =	shalt  }
0x51: {  	_ =	shalt  }
0x52: {  	_ =	shalt  }
0x53: {  	_ =	shalt  }
0x54: {  	_ =	shalt  }
0x55: {  	_ =	shalt  }
0x56: {  	_ =	shalt  }
0x57: {  	_ =	shalt  }
0x58: {  	_ =	shalt  }
0x59: {  	_ =	shalt  }
0x5a: {  	_ =	shalt  }
0x5b: {  	_ =	shalt  }
0x5c: {  	_ =	shalt  }
0x5d: {  	_ =	shalt  }
0x5e: {  	_ =	shalt  }
0x5f: {  	_ =	shalt  }
0x60: {  	_ =	shalt  }
0x61: {  	_ =	shalt  }
0x62: {  	_ =	shalt  }
0x63: {  	_ =	shalt  }
0x64: {  	_ =	shalt  }
0x65: {  	_ =	shalt  }
0x66: {  	_ =	shalt  }
0x67: {  	_ =	shalt  }
0x68: {  	_ =	shalt  }
0x69: {  	_ =	shalt  }
0x6a: {  	_ =	shalt  }
0x6b: {  	_ =	shalt  }
0x6c: {  	_ =	shalt  }
0x6d: {  	_ =	shalt  }
0x6e: {  	_ =	shalt  }
0x6f: {  	_ =	shalt  }
0x70: {  	_ =	shalt  }
0x71: {  	_ =	shalt  }
0x72: {  	_ =	shalt  }
0x73: {  	_ =	shalt  }
0x74: {  	_ =	shalt  }
0x75: {  	_ =	shalt  }
0x76: {  	_ =	shalt  }
0x77: {  	_ =	shalt  }
0x78: {  	_ =	shalt  }
0x79: {  	_ =	shalt  }
0x7a: {  	_ =	shalt  }
0x7b: {  	_ =	shalt  }
0x7c: {  	_ =	shalt  }
0x7d: {  	_ =	shalt  }
0x7e: {  	_ =	shalt  }
0x7f: {  	_ =	shalt  }
0x80: {  	_ =	shalt  }
0x81: {  	_ =	shalt  }
0x82: {  	_ =	shalt  }
0x83: {  	_ =	shalt  }
0x84: {  	_ =	shalt  }
0x85: {  	_ =	shalt  }
0x86: {  	_ =	shalt  }
0x87: {  	_ =	shalt  }
.Lfunc_end0:
.L_simem_size_0:
called_computation_lowered:
.L_overlay_start_0:
0x88: {  	s2 =	sld [smem:$0x3FD9]  }
0x89: {  	s3 =	sld [smem:$0x3FFE];
	_ =	sdelay $0x1  }
0x8a: {  	s1 =	srdreg.scid  }
0x8b: {  	s0 =	sand.u32 $0x1, s1  }
0x8c: {  	s14 =	sshll.u32 s0, $0xA;
	s2 =	sadd.s32 s3, s2  }
0x8d: {  	s2 =	sadd.s32 s2, s14  }
0x8e: {  	[smem:$0x3FC6] =	sst s2  }
0x8f: {  	_ = 	snop  }
0x90: {  	s2 =	sld [smem:$0x3FD0];
	_ =	sdelay $0x2  }
0x91: {  	s4 =	simm.s32 $0xA;
	s5 =	simm.s32 $0x10;
	s15 =	sld [smem:$0x3FC9]  }
0x92: {  	[smem:s5], [sflag:s4] =	dma.local [hbm:s2], $0x1  }
0x93: {  	_ =	swait.eq [sflag:s4], $0x1  }
0x94: {  	[sflag:s4] =	ssyncset.done $0x0  }
0x95: {  	[sflag:s4] =	ssyncadd.s32 $0xFFFFFFFF  }
0x96: {  	s16 =	sld [smem:$0x10];
	(tm) =	ssettm $0x1  }
0x97: {  	s17 =	sld [smem:$0x3FFB];
	_ =	sdelay $0x3  }
0x98: {  	_ =	strace s17  }
0x99: {  	s4 =	sld [smem:$0x3FFC];
	_ =	sdelay $0x3  }
0x9a: {  	_ =	strace s4  }
0x9b: {  	s4 =	sld [smem:$0x3FFD];
	_ =	sdelay $0x3  }
0x9c: {  	_ =	strace s4  }
0x9d: {  	_ =	strace $0x8FFFFFFF  }
0x9e: {  	s18 =	sld [smem:$0x3FDB];
	_ =	sdelay $0x1  }
0x9f: {  	s19 =	simm.s32 $_scs_section_size  }
0xa0: {  	s6 =	simm.s32 $_size__tile_overlayer_lowered;
	s7 =	simm.s32 $_tile_overlayer_lowered  }
0xa1: {  	s22 =	simm.s32 $0x1BFF;
	s21 =	sshll.u32 s7, $0x1;
	s4 =	sadd.s32 s19, s18  }
0xa2: {  	s8 =	simm.s32 $0x0;
	s20 =	sshll.u32 s6, $0x1;
	s6 =	sadd.s32 s21, s4  }
0xa3: {  	[timem:s8], [sflag:s22] =	dma.local [hbm:s6], s20  }
0xa4: {  	_ =	swait.ge [sflag:s22], s20  }
0xa5: {  	s5 =	ssub.s32 $0x0, s20;
	[sflag:s22] =	ssyncset.done $0x0  }
0xa6: {  	[sflag:s22] =	ssyncadd.s32 s5;
	_ =	sdelay $0x1  }
0xa7: {  	s23 =	simm.s32 $0x1B8B  }
0xa8: {  	_ =	swait.ge [sflag:s23], $0x1  }
0xa9: {  	[sflag:s23] =	ssyncset.done $0x0  }
0xaa: {  	s25 =	simm.s32 $0x1B8E;
	s24 =	sld [smem:$0x3FFE];
	[sflag:s23] =	ssyncadd.s32 $0xFFFFFFFF  }
0xab: {  	s26 =	simm.s32 $execute0_lowered;
	[smem:$0x3FD2] =	sst s25  }
0xac: {  	s6 =	sshll.u32 s26, $0x1;
	_ =	strace $0x80000046;
	[dreg:$0x1] =	wrdreg $0xFFFFFFFF  }
0xad: {  	s28 =	simm.s32 $_size_execute0_lowered;
	s4 =	sadd.s32 s4, s6;
	[dreg:$0x0] =	wrdreg $0x0  }
0xae: {  	s6 =	sshll.u32 s28, $0x1;
	[dreg:$0x2] =	wrdreg s4  }
0xaf: {  	[dreg:$0x3] =	wrdreg s6  }
0xb0: {  	[dreg:$0x4] =	wrdreg $0xC0  }
0xb1: {  	_ =	task [dreg:s8], $0x5FFFF  }
0xb2: {  	[dreg:$0x1] =	wrdreg $0xFFFFFFFF  }
0xb3: {  	[dreg:$0x0] =	wrdreg $0x60  }
0xb4: {  	[dreg:$0x2] =	wrdreg s15  }
0xb5: {  	[dreg:$0x3] =	wrdreg s24  }
0xb6: {  	[dreg:$0x4] =	wrdreg s16  }
0xb7: {  	[dreg:$0x5] =	wrdreg $0x9  }
0xb8: {  	_ =	task.clear_ibuf [dreg:s8], $0x6FFFF;
	_ =	strace $0x90000046  }
0xb9: {  	s29 =	simm.s32 $0x9;
	_ =	strace $0x80000048  }
0xba: {  	_ =	swait.ge [sflag:s29], $0x1  }
0xbb: {  	[sflag:s29] =	ssyncadd.s32 $0xFFFFFFFF  }
0xbc: {  	_ =	strace $0x90000048  }
0xbd: {  	_ =	sfence  }
0xbe: {  	s30 =	sld [smem:$0x0];
	_ =	sdelay $0x2  }
0xbf: {  	s31 =	sshll.u32 s1, $0xD;
	s1 =	sshrl.u32 s1, $0x2  }
0xc0: {  	s3 =	sand.u32 $0x4000, s31;
	s1 =	sadd.s32 s1, s30  }
0xc1: {  	s0 =	sor.u32 s3, s0;
	s1 =	sshll.u32 s1, $0x11  }
0xc2: {  	s0 =	sor.u32 s1, s0  }
0xc3: {  	s0 =	sadd.s32 $0x8F2B, s0  }
0xc4: {  	[sflag:s0] =	ssyncadd.remote.s32 $0x1  }
0xc5: {  	_ =	sfence.sel $0xFFFF  }
0xc6: {  	[dreg:$0x0] =	wrdreg $0xFFFFFFFF;
	(pc) =	sbr.abs _section_cstart, $3  }
0xc7: {  	[dreg:$0x1] =	wrdreg $0xFFFFFFFF  }
0xc8: {  	_ =	task.clear_ibuf [dreg:s8], $0x2FFFF;
	_ =	strace $0x9FFFFFFF  }
0xc9: {  	(tm) =	ssettm $0x7FFFFFFF  }
tec
execute0_lowered:
.L_overlay_start_1:
0x0: {  	(tag) =	ssettag $0x1  }
0x1: {  	s1 =	rddreg [dreg:$0x0]  }
0x2: {  	s4 =	rddreg [dreg:$0x1]  }
0x3: {  	s7 =	rddreg [dreg:$0x2]  }
0x4: {  	s0 =	rddreg [dreg:$0x3];
	s5 =	srdreg.scid;
	s3 =	simm.s32 $0x0  }
0x5: {  	s2 =	stileid.u32;
	s10 =	simm.s32 $0x400;
	s11 =	simm.s32 $0x20000  }
0x6: {  	s12 =	simm.s32 $0x4080;
	s13 =	simm.s32 $0x80;
	s14 =	simm.s32 $0x0  }
0x7: {  	s5 =	sand.u32 $0x1, s5;
	[smem:$0x7FF] =	sst s3;
	s6 =	sshll.u32 s2, $0x8  }
.Ltmp0:
0x8: {  	s8 =	sshll.u32 s5, $0x7;
	s5 =	ssub.s32 $0x2, s5;
	(pc) =	sbr.rel .LBB2_1-.Ltmp0, $4  }
0x9: {  	s4 =	sadd.s32 $0x800, s4;
	s6 =	sor.u32 s8, s6;
	s30 =	sshrl.u32 s5, $0x1  }
0xa: {  	_ =	strace $0x80000047;
	s9 =	sshll.u32 s6, $0xB;
	s8 =	ssub.s32 s5, s30  }
0xb: {  	v0 =	vlaneseq.u32;
	s31 =	sshll.u32 s6, $0x4;
	s6 =	sshll.u32 s6, $0xE;
	s5 =	sadd.s32 s1, s9  }
0xc: {  	vm0 =	vmmov $0x1;
	v1 =	vimm.f32 $0.0e+00;
	v2 =	vmul.u32 $0x80, v0;
	s7 =	sadd.s32 s7, s31;
	s8 =	smax.u32 s8, $0x1;
	s9 =	simm.s32 $0x1  }
.LBB2_8:
0xd: {  	s15 =	sadd.s32 s15, s5  }
0xe: {  	[tilespmem:s13], [sflag:$0x1] =	stream.strided.gather [hbm4b:s15+s10], $0x4000, s11, s10, $0x38;
	[tilespmem:$0x8080] =	vst v63  }
0xf: {  	_ =	swait.ge [sflag:s9], $0x4000  }
0x10: {  	[sflag:s9] =	ssyncset.done $0x0  }
0x11: {  	[sflag:s9] =	ssyncadd.s32 $0xFFFFC000  }
.LBB2_6:
0x12: {  	s14 =	sadd.s32 $0x1, s14  }
0x13: {  	p0 =	sne.s32 s14, s8  }
.Ltmp1:
0x14: {  	_ = 	snop;
	(pc) =	sbr.rel @!p0 .LBB2_7-.Ltmp1, $4  }
0x15: {  	[hbm4b:s7+s3] =	stream.linear.scatter [tilespmem:s13], [sflag:$0x1], $0x4000, $0x38;
	[tilespmem:$0x8080] =	vst v63  }
0x16: {  	_ =	swait.ge [sflag:s9], $0x4000  }
0x17: {  	[sflag:s9] =	ssyncset.done $0x0  }
0x18: {  	[sflag:s9] =	ssyncadd.s32 $0xFFFFC000  }
.LBB2_1:
0x19: {  	[tilespmem:s3], [sflag:$0x1] =	stream.linear.gather [hbm4b:s4+s3], $0x80, $0x38;
	[tilespmem:$0x8080] =	vst v63  }
0x1a: {  	_ =	swait.ge [sflag:s9], $0x80  }
0x1b: {  	[sflag:s9] =	ssyncset.done $0x0  }
0x1c: {  	[sflag:s9] =	ssyncadd.s32 $0xFFFFFF80  }
0x1d: {  	v3 =	vld [tilespmem:$0x0];
	_ =	sdelay $0x4  }
0x1e: {  	v4 =	vnsel vm0, $0x7FFFFFFF, v3  }
0x1f: {  	v4 =	vxor.u32 $0x80000000, v4  }
0x20: {  	(xrf0) =	vmin.scan.msk.u32 $0xffff, v4;
	_ =	sdelay $0x5  }
0x21: {  	v4, _, _ =	vpop (xrf0)  }
0x22: {  	(v2sf) =	vpush v4, $0xF;
	_ =	sdelay $0xc  }
0x23: {  	v61 =	vld [tilespmem:$0x10]  }
0x24: {  	v5 =	vld [tilespmem:$0x20]  }
0x25: {  	v6 =	vld [tilespmem:$0x30];
	s16 =	spop (v2sf)  }
0x26: {  	v7 =	vld [tilespmem:$0x40];
	s15 =	sxor.u32 $0x80000000, s16;
	s17 =	sadd.s32 $0x80000010, s16  }
0x27: {  	v10 =	vld [tilespmem:$0x50];
	s25 =	sadd.s32 $0x80000020, s16;
	v8 =	vadd.s32 s15, v0;
	v9 =	vadd.s32 s17, v0  }
0x28: {  	v62 =	vld [tilespmem:$0x60];
	s26 =	sadd.s32 $0x80000030, s16;
	vm1 =	veq.s32 v3, v8;
	vm2 =	veq.s32 v61, v9;
	v3 =	vadd.s32 s25, v0  }
0x29: {  	v63 =	vld [tilespmem:$0x70];
	s28 =	sadd.s32 $0x80000040, s16;
	vm1 =	vmand vm1, vm2;
	vm2 =	veq.s32 v5, v3;
	v3 =	vadd.s32 s26, v0  }
0x2a: {  	s29 =	sadd.s32 $0x80000050, s16;
	vm1 =	vmand vm2, vm1;
	vm2 =	veq.s32 v6, v3;
	v3 =	vadd.s32 s28, v0  }
0x2b: {  	s30 =	sadd.s32 $0x80000060, s16;
	vm1 =	vmand vm2, vm1;
	vm2 =	veq.s32 v7, v3;
	v3 =	vadd.s32 s29, v0  }
0x2c: {  	s31 =	sadd.s32 $0x80000070, s16;
	vm1 =	vmand vm2, vm1;
	vm2 =	veq.s32 v10, v3;
	v3 =	vadd.s32 s30, v0  }
0x2d: {  	vm1 =	vmand vm2, vm1;
	vm2 =	veq.s32 v62, v3;
	v3 =	vadd.s32 s31, v0  }
0x2e: {  	vm1 =	vmand vm2, vm1;
	vm2 =	veq.s32 v63, v3  }
0x2f: {  	vm1 =	vmand vm2, vm1  }
0x30: {  	v3 =	vsel vm1, $0x3F800000, v1  }
0x31: {  	(xrf0) =	vmin.scan.msk.f32 $0xffff, v3;
	_ =	sdelay $0x5  }
0x32: {  	v3, _, _ =	vpop (xrf0)  }
0x33: {  	(v2sf) =	vpush v3, $0xF;
	_ =	sdelay $0xd  }
0x34: {  	s16 =	sand.u32 $0x7F, s16  }
0x35: {  	p0 =	sne.s32 s16, $0x0;
	s17 =	spop (v2sf)  }
0x36: {  	p1 =	sgt.f32 @!p0 s17, $0.0e+00;
	_ =	sdelay $0x1  }
0x37: {  	p1 =	por p0, !p1  }
.Ltmp2:
0x38: {  	_ = 	snop;
	(pc) =	sbr.rel @!p1 .LBB2_8-.Ltmp2, $1  }
0x39: {  	_ =	sdelay $0x3  }
0x3a: {  	s15 =	simm.s32 $0x0  }
0x3b: {  	s15 =	simm.s32 @p0 $0x0  }
.LBB2_3:
0x3c: {  	s16 =	sand.u32 $0x70, s15  }
0x3d: {  	v3 =	vld [tilespmem:s16+$0x0];
	_ =	sdelay $0x2  }
0x3e: {  	s26 =	sand.u32 $0xF, s15  }
0x3f: {  	v4 =	vmov s26  }
0x40: {  	vm1 =	veq.s32 v4, v0;
	v3 =	vxor.u32 $0x80000000, v3  }
0x41: {  	v3 =	vnsel vm1, $0xFFFFFFFF, v3  }
0x42: {  	(xrf0) =	vmin.scan.msk.u32 $0xffff, v3;
	_ =	sdelay $0x5  }
0x43: {  	v3, _, _ =	vpop (xrf0)  }
0x44: {  	(v2sf) =	vpush v3, $0xF;
	_ =	sdelay $0xe  }
0x45: {  	s28 =	spop (v2sf)  }
0x46: {  	s17 =	sxor.u32 $0x80000000, s28  }
0x47: {  	p1 =	sgt.s32 s28, $0xFFFFFFFF;
	s16 =	sand.u32 $0x7F, s28;
	p0 =	slt.s32 s17, $0x1  }
0x48: {  	s18 =	sshra.s32 s17, $0x1F;
	p6 =	sne.s32 s16, $0x0;
	p0 =	por p1, p0  }
0x49: {  	s29 =	sshrl.u32 s18, $0x19;
	p0 =	por !p6, !p0  }
0x4a: {  	s18 =	simm.s32 $0x1;
	s16 =	sadd.s32 s29, s17;
	p0 =	por !p0, !p0  }
0x4b: {  	s16 =	sshra.s32 s16, $0x7;
	s18 =	simm.s32 @!p0 $0x0  }
0x4c: {  	s30 =	simm.s32 $0x0;
	s16 =	ssub.s32 s16, s18  }
0x4d: {  	v3 =	vmov s30;
	s18 =	sshll.u32 s16, $0xA;
	s16 =	sshll.u32 s16, $0x7  }
0x4e: {  	v5 =	vshll.u32 v3, $0x7;
	s18 =	sadd.s32 s6, s18;
	s16 =	ssub.s32 s17, s16  }
0x4f: {  	v5 =	vor.u32 v2, v5;
	s18 =	sshrl.u32 s18, $0x3;
	v3 =	vmov s16  }
0x50: {  	s18 =	sadd.s32 s1, s18;
	v6 =	vadd.s32 v3, v5  }
0x51: {  	[tilespmem:s12], [sflag:$0x1] =	stream.strided.gather [hbm4b:s18+s10], $0x4000, s11, s10, $0x38;
	[tilespmem:$0x8080] =	vst v63  }
0x52: {  	v4 =	vmov s15;
	_ =	swait.ge [sflag:s9], $0x4000  }
0x53: {  	s31 =	simm.s32 $0x10;
	v4 =	vand.u32 $0x7F, v4;
	[sflag:s9] =	ssyncset.done $0x0  }
0x54: {  	v7 =	vmov s31;
	v4 =	vbroadcast v4, $0x0;
	s16 =	simm.s32 $0x20;
	[sflag:s9] =	ssyncadd.s32 $0xFFFFC000  }
.LBB2_4:
0x55: {  	p0 =	sne.s32 s16, $0x70;
	v7 =	vshll.u32 v7, $0x7;
	v8 =	vld.idx.msk [tilespmem:v6+s12+$0x0], $0xffff  }
0x56: {  	v9 =	vor.u32 v4, v5;
	v5 =	vor.u32 v2, v7  }
.Ltmp3:
0x57: {  	v6 =	vadd.s32 v3, v5;
	(pc) =	sbr.rel @p0 .LBB2_4-.Ltmp3, $2  }
0x58: {  	_ =	sdelay $0x2  }
0x59: {  	v7 =	vmov s16;
	s16 =	sadd.s32 $0x10, s16;
	[tilespmem:v9+s13+$0x0] =	vst.idx.msk $0xffff, v8  }
0x5a: {  	_ =	sdelay $0x2  }
0x5b: {  	v7 =	vshll.u32 v7, $0x7  }
0x5c: {  	v6 =	vld.idx.msk [tilespmem:v6+s12+$0x0], $0xffff;
	v5 =	vor.u32 v4, v5;
	v7 =	vor.u32 v2, v7  }
0x5d: {  	v3 =	vadd.s32 v3, v7;
	_ =	sdelay $0x3  }
0x5e: {  	s15 =	sadd.s32 $0x1, s15;
	[tilespmem:v5+s13+$0x0] =	vst.idx.msk $0xffff, v6  }
0x5f: {  	p0 =	sne.s32 s15, $0x80;
	v63 =	vor.u32 v4, v7;
	v3 =	vld.idx.msk [tilespmem:v3+s12+$0x0], $0xffff  }
.Ltmp4:
0x60: {  	_ = 	snop;
	(pc) =	sbr.rel @p0 .LBB2_3-.Ltmp4, $4  }
.Ltmp5:
0x61: {  	_ = 	snop;
	(pc) =	sbr.rel @!p0 .LBB2_6-.Ltmp5, $4  }
0x62: {  	_ = 	snop  }
0x63: {  	_ = 	snop  }
0x64: {  	[tilespmem:v63+s13+$0x0] =	vst.idx.msk $0xffff, v3  }
0x65: {  	_ = 	snop  }
.LBB2_7:
0x66: {  	_ =	sfence.sel $0x180000  }
0x67: {  	[bflag:$0x0] =	sbarrier.arrive $0xFFFF  }
0x68: {  	p0 =	sne.s32 s2, $0x0;
	_ =	strace $0x90000047  }
0x69: {  	s0 =	sadd.s32 @!p0 $0x100000, s0;
	[bflag:$0x2] =	sbarrier.arrive $0xFFFF  }
0x6a: {  	[sflag:s0] =	ssyncadd.tile.s32 @!p0 $0x1;
	_ =	shalt  }
.Lfunc_end2:
_tile_overlayer_lowered:
.L_overlay_start_2:
0x6b: {  	(tag) =	ssettag $0x2  }
0x6c: {  	s0 =	rddreg [dreg:$0x0];
	s2 =	stileid.u32  }
0x6d: {  	s1 =	rddreg [dreg:$0x1];
	p0 =	sne.s32 s2, $0x0  }
0x6e: {  	s3 =	rddreg [dreg:$0x2];
	[bflag:$0x3] =	sbarrier.arrive $0xFFFF;
	s2 =	simm.s32 @!p0 $0x1C01  }
0x6f: {  	[timem:s3], [sflag:s2] =	dma.local @!p0 [hbm:s0], s1  }
0x70: {  	s0 =	simm.s32 @!p0 $0x1  }
0x71: {  	_ =	swait.ge @!p0 [sflag:s0], s1  }
0x72: {  	s1 =	ssub.s32 @!p0 $0x0, s1;
	[sflag:s0] =	ssyncset.done @!p0 $0x0  }
0x73: {  	[sflag:s0] =	ssyncadd.s32 @!p0 s1  }
0x74: {  	[bflag:$0x3] =	sbarrier.arrive $0xFFFF  }
0x75: {  	_ =	shalt  }

</sc_bundles>
